<compile_context>
chip_gen: v7x
topology: tpu7x:2x2x1
jax: 0.10.2.dev20260603
libtpu: 0.0.44.dev20260713+nightly
codegen_flags: <defaults>
</compile_context>

<pallas_src>
import jax
import jax.numpy as jnp
from jax import lax
from jax.experimental import pallas as pl
from jax.experimental.pallas import tpu as pltpu
from jax.experimental.pallas import tpu_sc as plsc

B = 4096
L = 16
NUM_CORES = 1
NUM_SUBCORES = 16
BPW = B // (NUM_CORES * NUM_SUBCORES)
HALF = BPW // 2


def _gather_body(params_hbm, cs_hbm, out_hbm, table_v, idx_v, out_v, sem_t, sem_i, sem_o):
    wid = lax.axis_index("s") * NUM_CORES + lax.axis_index("c")
    base = wid * BPW
    ct = pltpu.async_copy(params_hbm, table_v.at[pl.ds(0, 10)], sem_t)
    ci = pltpu.async_copy(cs_hbm.at[pl.ds(base, BPW)], idx_v, sem_i)
    ct.wait()
    ci.wait()
    table = table_v[...]
    for j in range(HALF // L):
        idx = idx_v[pl.ds(j * L, L)]
        out_v[pl.ds(j * L, L)] = table.at[idx].get(mode="promise_in_bounds")
    c0 = pltpu.async_copy(
        out_v.at[pl.ds(0, HALF)], out_hbm.at[pl.ds(base, HALF)], sem_o
    )
    for j in range(HALF // L, BPW // L):
        idx = idx_v[pl.ds(j * L, L)]
        out_v[pl.ds(j * L, L)] = table.at[idx].get(mode="promise_in_bounds")
    c1 = pltpu.async_copy(
        out_v.at[pl.ds(HALF, HALF)], out_hbm.at[pl.ds(base + HALF, HALF)], sem_o
    )
    c0.wait()
    c1.wait()


@jax.jit
def _run(params, cs):
    mesh = plsc.VectorSubcoreMesh(
        core_axis_name="c", subcore_axis_name="s", num_cores=NUM_CORES
    )
    f = pl.kernel(
        _gather_body,
        mesh=mesh,
        out_type=jax.ShapeDtypeStruct((B,), jnp.float32),
        scratch_types=[
            pltpu.VMEM((L,), jnp.float32),
            pltpu.VMEM((BPW,), jnp.int32),
            pltpu.VMEM((BPW,), jnp.float32),
            pltpu.SemaphoreType.DMA,
            pltpu.SemaphoreType.DMA,
            pltpu.SemaphoreType.DMA,
        ],
    )
    return f(params, cs)


def kernel(cs, xs, params):
    return _run(params, cs.astype(jnp.int32))

# --- scband reference (transcript-rebuilt; emitter-appended) ---
"""Pipeline reference for scband-sp-var-model-77257871721100 (READ-ONLY COPY).

The authoritative reference and input builder live on the scoring server;
editing this copy changes nothing except your own understanding.
"""

import jax, jax.numpy as jnp
import numpy as np

B = 4096
NUM_COORDS = 10

def setup_inputs(seed: int = 0) -> dict:
    key = jax.random.key(seed)
    k1, k2, k3 = jax.random.split(key, 3)
    cs = jax.random.randint(k1, (B,), 0, NUM_COORDS)
    xs = jax.random.normal(k2, (B,), dtype=jnp.float32)
    # ParameterList of 10 scalar params, each uniform(0,1); materialize as a [10] table
    params = jax.random.uniform(k3, (NUM_COORDS,), dtype=jnp.float32, minval=0.0, maxval=1.0)
    return {"cs": cs, "xs": xs, "params": params}

def reference(cs, xs, params):
    # Original forward: for each c in cs, find index of c in self.coords (identity map 0..9)
    # and gather the corresponding scalar param; stack and squeeze -> shape [B].
    # coords = [0..9], so coords.index(c) == c; equivalent to a gather.
    out = jnp.take(params, cs, axis=0)
    return out

if __name__ == "__main__":
    import jax
    _d = setup_inputs()
    print(jax.jit(kernel)(*tuple(_d.values())))

</pallas_src>

<mosaic_0001>
#map = affine_map<(d0, d1) -> (0)>
module attributes {stable_mosaic.version = 14 : i64} {
  func.func @_gather_body(%arg0: i32, %arg1: i32, %arg2: memref<10xf32, #tpu.memory_space<hbm>>, %arg3: memref<4096xi32, #tpu.memory_space<hbm>>, %arg4: memref<4096xf32, #tpu.memory_space<hbm>>, %arg5: memref<16xf32, #tpu.memory_space<vmem>>, %arg6: memref<256xi32, #tpu.memory_space<vmem>>, %arg7: memref<256xf32, #tpu.memory_space<vmem>>, %arg8: memref<!tpu.dma_semaphore, #tpu.memory_space<semaphore_mem>>, %arg9: memref<!tpu.dma_semaphore, #tpu.memory_space<semaphore_mem>>, %arg10: memref<!tpu.dma_semaphore, #tpu.memory_space<semaphore_mem>>) attributes {dimension_semantics = [#tpu.dimension_semantics<core_parallel>, #tpu.dimension_semantics<subcore_parallel>], iteration_bounds = array<i64: 1, 16>, scalar_prefetch = 0 : i64, scratch_operands = 6 : i64, tpu.core_type = #tpu.core_type<sc_vector_subcore>, window_params = [{transform_indices = #map}, {transform_indices = #map}, {transform_indices = #map}]} {
    %mul3A = arith.constant 1 : i32
    %mul3A_0 = arith.muli %arg1, %mul3A : i32
    %add3A = arith.addi %mul3A_0, %arg0 : i32
    %mul3A_1 = arith.constant 256 : i32
    %mul3A_2 = arith.muli %add3A, %mul3A_1 : i32
    %dma_start3A = arith.constant 0 : i32
    %dma_start3A_3 = tpu.memref_slice %arg5[%dma_start3A] : memref<16xf32, #tpu.memory_space<vmem>> -> memref<10xf32, #tpu.memory_space<vmem>>
    %dma_start3A_4 = arith.constant 0 : i32
    %dma_start3A_5 = tpu.memref_slice %arg5[%dma_start3A_4] : memref<16xf32, #tpu.memory_space<vmem>> -> memref<10xf32, #tpu.memory_space<vmem>>
    tpu.enqueue_dma source(%arg2 : memref<10xf32, #tpu.memory_space<hbm>>) target(%dma_start3A_5 : memref<10xf32, #tpu.memory_space<vmem>>) target_semaphore(%arg8 : memref<!tpu.dma_semaphore, #tpu.memory_space<semaphore_mem>>)
    %dma_start3A_6 = tpu.memref_slice %arg3[%mul3A_2] : memref<4096xi32, #tpu.memory_space<hbm>> -> memref<256xi32, #tpu.memory_space<hbm>>
    %dma_start3A_7 = tpu.memref_slice %arg3[%mul3A_2] : memref<4096xi32, #tpu.memory_space<hbm>> -> memref<256xi32, #tpu.memory_space<hbm>>
    tpu.enqueue_dma source(%dma_start3A_7 : memref<256xi32, #tpu.memory_space<hbm>>) target(%arg6 : memref<256xi32, #tpu.memory_space<vmem>>) target_semaphore(%arg9 : memref<!tpu.dma_semaphore, #tpu.memory_space<semaphore_mem>>)
    %dma_wait3A = arith.constant 0 : i32
    %dma_wait3A_8 = tpu.memref_slice %arg5[%dma_wait3A] : memref<16xf32, #tpu.memory_space<vmem>> -> memref<10xf32, #tpu.memory_space<vmem>>
    %dma_wait3A_9 = arith.constant 0 : i32
    %dma_wait3A_10 = tpu.memref_slice %arg5[%dma_wait3A_9] : memref<16xf32, #tpu.memory_space<vmem>> -> memref<10xf32, #tpu.memory_space<vmem>>
    tpu.wait_dma2 semaphore(%arg8 : memref<!tpu.dma_semaphore, #tpu.memory_space<semaphore_mem>>) src(%arg2 : memref<10xf32, #tpu.memory_space<hbm>>) dst(%dma_wait3A_10 : memref<10xf32, #tpu.memory_space<vmem>>)
    %dma_wait3A_11 = tpu.memref_slice %arg3[%mul3A_2] : memref<4096xi32, #tpu.memory_space<hbm>> -> memref<256xi32, #tpu.memory_space<hbm>>
    %dma_wait3A_12 = tpu.memref_slice %arg3[%mul3A_2] : memref<4096xi32, #tpu.memory_space<hbm>> -> memref<256xi32, #tpu.memory_space<hbm>>
    tpu.wait_dma2 semaphore(%arg9 : memref<!tpu.dma_semaphore, #tpu.memory_space<semaphore_mem>>) src(%dma_wait3A_12 : memref<256xi32, #tpu.memory_space<hbm>>) dst(%arg6 : memref<256xi32, #tpu.memory_space<vmem>>)
    %get3A = arith.constant 0 : index
    %get3A_13 = tpu.vector_load %arg5[%get3A] {strides = array<i32>} : memref<16xf32, #tpu.memory_space<vmem>>, vector<16xf32>,
    %get3A_14 = vector.shape_cast %get3A_13 : vector<16xf32> to vector<16xf32>
    %get3A_15 = arith.constant 0 : index
    %get3A_16 = tpu.vector_load %arg6[%get3A_15] {strides = array<i32>} : memref<256xi32, #tpu.memory_space<vmem>>, vector<16xi32>,
    %get3A_17 = vector.shape_cast %get3A_16 : vector<16xi32> to vector<16xi32>
    %lt3A = arith.constant 0 : i32
    %lt3A_18 = vector.broadcast %lt3A : i32 to vector<16xi32>
    %lt3A_19 = arith.cmpi slt, %get3A_17, %lt3A_18 : vector<16xi32>
    %add3A_20 = arith.constant 16 : i32
    %add3A_21 = vector.broadcast %add3A_20 : i32 to vector<16xi32>
    %add3A_22 = arith.addi %get3A_17, %add3A_21 : vector<16xi32>
    %select_n3A = arith.select %lt3A_19, %add3A_22, %get3A_17 : vector<16xi1>, vector<16xi32>
    %broadcast_in_dim3A = vector.shape_cast %select_n3A : vector<16xi32> to vector<16x1xi32>
    %gather3A = vector.shape_cast %broadcast_in_dim3A : vector<16x1xi32> to vector<16xi32>
    %gather3A_23 = tpu.dynamic_gather %get3A_14[%gather3A] in [0] : vector<16xf32>, vector<16xi32> -> vector<16xf32>
    %swap3A = arith.constant 0 : index
    %swap3A_24 = tpu.vector_load %arg7[%swap3A] {strides = array<i32>} : memref<256xf32, #tpu.memory_space<vmem>>, vector<16xf32>,
    %swap3A_25 = vector.shape_cast %swap3A_24 : vector<16xf32> to vector<16xf32>
    %swap3A_26 = vector.shape_cast %gather3A_23 : vector<16xf32> to vector<16xf32>
    tpu.vector_store %arg7[%swap3A], %swap3A_26 {strides = array<i32>} : memref<256xf32, #tpu.memory_space<vmem>>, vector<16xf32>,
    %get3A_27 = arith.constant 16 : index
    %get3A_28 = tpu.vector_load %arg6[%get3A_27] {strides = array<i32>} : memref<256xi32, #tpu.memory_space<vmem>>, vector<16xi32>,
    %get3A_29 = vector.shape_cast %get3A_28 : vector<16xi32> to vector<16xi32>
    %lt3A_30 = arith.constant 0 : i32
    %lt3A_31 = vector.broadcast %lt3A_30 : i32 to vector<16xi32>
    %lt3A_32 = arith.cmpi slt, %get3A_29, %lt3A_31 : vector<16xi32>
    %add3A_33 = arith.constant 16 : i32
    %add3A_34 = vector.broadcast %add3A_33 : i32 to vector<16xi32>
    %add3A_35 = arith.addi %get3A_29, %add3A_34 : vector<16xi32>
    %select_n3A_36 = arith.select %lt3A_32, %add3A_35, %get3A_29 : vector<16xi1>, vector<16xi32>
    %broadcast_in_dim3A_37 = vector.shape_cast %select_n3A_36 : vector<16xi32> to vector<16x1xi32>
    %gather3A_38 = vector.shape_cast %broadcast_in_dim3A_37 : vector<16x1xi32> to vector<16xi32>
    %gather3A_39 = tpu.dynamic_gather %get3A_14[%gather3A_38] in [0] : vector<16xf32>, vector<16xi32> -> vector<16xf32>
    %swap3A_40 = arith.constant 16 : index
    %swap3A_41 = tpu.vector_load %arg7[%swap3A_40] {strides = array<i32>} : memref<256xf32, #tpu.memory_space<vmem>>, vector<16xf32>,
    %swap3A_42 = vector.shape_cast %swap3A_41 : vector<16xf32> to vector<16xf32>
    %swap3A_43 = vector.shape_cast %gather3A_39 : vector<16xf32> to vector<16xf32>
    tpu.vector_store %arg7[%swap3A_40], %swap3A_43 {strides = array<i32>} : memref<256xf32, #tpu.memory_space<vmem>>, vector<16xf32>,
    %get3A_44 = arith.constant 32 : index
    %get3A_45 = tpu.vector_load %arg6[%get3A_44] {strides = array<i32>} : memref<256xi32, #tpu.memory_space<vmem>>, vector<16xi32>,
    %get3A_46 = vector.shape_cast %get3A_45 : vector<16xi32> to vector<16xi32>
    %lt3A_47 = arith.constant 0 : i32
    %lt3A_48 = vector.broadcast %lt3A_47 : i32 to vector<16xi32>
    %lt3A_49 = arith.cmpi slt, %get3A_46, %lt3A_48 : vector<16xi32>
    %add3A_50 = arith.constant 16 : i32
    %add3A_51 = vector.broadcast %add3A_50 : i32 to vector<16xi32>
    %add3A_52 = arith.addi %get3A_46, %add3A_51 : vector<16xi32>
    %select_n3A_53 = arith.select %lt3A_49, %add3A_52, %get3A_46 : vector<16xi1>, vector<16xi32>
    %broadcast_in_dim3A_54 = vector.shape_cast %select_n3A_53 : vector<16xi32> to vector<16x1xi32>
    %gather3A_55 = vector.shape_cast %broadcast_in_dim3A_54 : vector<16x1xi32> to vector<16xi32>
    %gather3A_56 = tpu.dynamic_gather %get3A_14[%gather3A_55] in [0] : vector<16xf32>, vector<16xi32> -> vector<16xf32>
    %swap3A_57 = arith.constant 32 : index
    %swap3A_58 = tpu.vector_load %arg7[%swap3A_57] {strides = array<i32>} : memref<256xf32, #tpu.memory_space<vmem>>, vector<16xf32>,
    %swap3A_59 = vector.shape_cast %swap3A_58 : vector<16xf32> to vector<16xf32>
    %swap3A_60 = vector.shape_cast %gather3A_56 : vector<16xf32> to vector<16xf32>
    tpu.vector_store %arg7[%swap3A_57], %swap3A_60 {strides = array<i32>} : memref<256xf32, #tpu.memory_space<vmem>>, vector<16xf32>,
    %get3A_61 = arith.constant 48 : index
    %get3A_62 = tpu.vector_load %arg6[%get3A_61] {strides = array<i32>} : memref<256xi32, #tpu.memory_space<vmem>>, vector<16xi32>,
    %get3A_63 = vector.shape_cast %get3A_62 : vector<16xi32> to vector<16xi32>
    %lt3A_64 = arith.constant 0 : i32
    %lt3A_65 = vector.broadcast %lt3A_64 : i32 to vector<16xi32>
    %lt3A_66 = arith.cmpi slt, %get3A_63, %lt3A_65 : vector<16xi32>
    %add3A_67 = arith.constant 16 : i32
    %add3A_68 = vector.broadcast %add3A_67 : i32 to vector<16xi32>
    %add3A_69 = arith.addi %get3A_63, %add3A_68 : vector<16xi32>
    %select_n3A_70 = arith.select %lt3A_66, %add3A_69, %get3A_63 : vector<16xi1>, vector<16xi32>
    %broadcast_in_dim3A_71 = vector.shape_cast %select_n3A_70 : vector<16xi32> to vector<16x1xi32>
    %gather3A_72 = vector.shape_cast %broadcast_in_dim3A_71 : vector<16x1xi32> to vector<16xi32>
    %gather3A_73 = tpu.dynamic_gather %get3A_14[%gather3A_72] in [0] : vector<16xf32>, vector<16xi32> -> vector<16xf32>
    %swap3A_74 = arith.constant 48 : index
    %swap3A_75 = tpu.vector_load %arg7[%swap3A_74] {strides = array<i32>} : memref<256xf32, #tpu.memory_space<vmem>>, vector<16xf32>,
    %swap3A_76 = vector.shape_cast %swap3A_75 : vector<16xf32> to vector<16xf32>
    %swap3A_77 = vector.shape_cast %gather3A_73 : vector<16xf32> to vector<16xf32>
    tpu.vector_store %arg7[%swap3A_74], %swap3A_77 {strides = array<i32>} : memref<256xf32, #tpu.memory_space<vmem>>, vector<16xf32>,
    %get3A_78 = arith.constant 64 : index
    %get3A_79 = tpu.vector_load %arg6[%get3A_78] {strides = array<i32>} : memref<256xi32, #tpu.memory_space<vmem>>, vector<16xi32>,
    %get3A_80 = vector.shape_cast %get3A_79 : vector<16xi32> to vector<16xi32>
    %lt3A_81 = arith.constant 0 : i32
    %lt3A_82 = vector.broadcast %lt3A_81 : i32 to vector<16xi32>
    %lt3A_83 = arith.cmpi slt, %get3A_80, %lt3A_82 : vector<16xi32>
    %add3A_84 = arith.constant 16 : i32
    %add3A_85 = vector.broadcast %add3A_84 : i32 to vector<16xi32>
    %add3A_86 = arith.addi %get3A_80, %add3A_85 : vector<16xi32>
    %select_n3A_87 = arith.select %lt3A_83, %add3A_86, %get3A_80 : vector<16xi1>, vector<16xi32>
    %broadcast_in_dim3A_88 = vector.shape_cast %select_n3A_87 : vector<16xi32> to vector<16x1xi32>
    %gather3A_89 = vector.shape_cast %broadcast_in_dim3A_88 : vector<16x1xi32> to vector<16xi32>
    %gather3A_90 = tpu.dynamic_gather %get3A_14[%gather3A_89] in [0] : vector<16xf32>, vector<16xi32> -> vector<16xf32>
    %swap3A_91 = arith.constant 64 : index
    %swap3A_92 = tpu.vector_load %arg7[%swap3A_91] {strides = array<i32>} : memref<256xf32, #tpu.memory_space<vmem>>, vector<16xf32>,
    %swap3A_93 = vector.shape_cast %swap3A_92 : vector<16xf32> to vector<16xf32>
    %swap3A_94 = vector.shape_cast %gather3A_90 : vector<16xf32> to vector<16xf32>
    tpu.vector_store %arg7[%swap3A_91], %swap3A_94 {strides = array<i32>} : memref<256xf32, #tpu.memory_space<vmem>>, vector<16xf32>,
    %get3A_95 = arith.constant 80 : index
    %get3A_96 = tpu.vector_load %arg6[%get3A_95] {strides = array<i32>} : memref<256xi32, #tpu.memory_space<vmem>>, vector<16xi32>,
    %get3A_97 = vector.shape_cast %get3A_96 : vector<16xi32> to vector<16xi32>
    %lt3A_98 = arith.constant 0 : i32
    %lt3A_99 = vector.broadcast %lt3A_98 : i32 to vector<16xi32>
    %lt3A_100 = arith.cmpi slt, %get3A_97, %lt3A_99 : vector<16xi32>
    %add3A_101 = arith.constant 16 : i32
    %add3A_102 = vector.broadcast %add3A_101 : i32 to vector<16xi32>
    %add3A_103 = arith.addi %get3A_97, %add3A_102 : vector<16xi32>
    %select_n3A_104 = arith.select %lt3A_100, %add3A_103, %get3A_97 : vector<16xi1>, vector<16xi32>
    %broadcast_in_dim3A_105 = vector.shape_cast %select_n3A_104 : vector<16xi32> to vector<16x1xi32>
    %gather3A_106 = vector.shape_cast %broadcast_in_dim3A_105 : vector<16x1xi32> to vector<16xi32>
    %gather3A_107 = tpu.dynamic_gather %get3A_14[%gather3A_106] in [0] : vector<16xf32>, vector<16xi32> -> vector<16xf32>
    %swap3A_108 = arith.constant 80 : index
    %swap3A_109 = tpu.vector_load %arg7[%swap3A_108] {strides = array<i32>} : memref<256xf32, #tpu.memory_space<vmem>>, vector<16xf32>,
    %swap3A_110 = vector.shape_cast %swap3A_109 : vector<16xf32> to vector<16xf32>
    %swap3A_111 = vector.shape_cast %gather3A_107 : vector<16xf32> to vector<16xf32>
    tpu.vector_store %arg7[%swap3A_108], %swap3A_111 {strides = array<i32>} : memref<256xf32, #tpu.memory_space<vmem>>, vector<16xf32>,
    %get3A_112 = arith.constant 96 : index
    %get3A_113 = tpu.vector_load %arg6[%get3A_112] {strides = array<i32>} : memref<256xi32, #tpu.memory_space<vmem>>, vector<16xi32>,
    %get3A_114 = vector.shape_cast %get3A_113 : vector<16xi32> to vector<16xi32>
    %lt3A_115 = arith.constant 0 : i32
    %lt3A_116 = vector.broadcast %lt3A_115 : i32 to vector<16xi32>
    %lt3A_117 = arith.cmpi slt, %get3A_114, %lt3A_116 : vector<16xi32>
    %add3A_118 = arith.constant 16 : i32
    %add3A_119 = vector.broadcast %add3A_118 : i32 to vector<16xi32>
    %add3A_120 = arith.addi %get3A_114, %add3A_119 : vector<16xi32>
    %select_n3A_121 = arith.select %lt3A_117, %add3A_120, %get3A_114 : vector<16xi1>, vector<16xi32>
    %broadcast_in_dim3A_122 = vector.shape_cast %select_n3A_121 : vector<16xi32> to vector<16x1xi32>
    %gather3A_123 = vector.shape_cast %broadcast_in_dim3A_122 : vector<16x1xi32> to vector<16xi32>
    %gather3A_124 = tpu.dynamic_gather %get3A_14[%gather3A_123] in [0] : vector<16xf32>, vector<16xi32> -> vector<16xf32>
    %swap3A_125 = arith.constant 96 : index
    %swap3A_126 = tpu.vector_load %arg7[%swap3A_125] {strides = array<i32>} : memref<256xf32, #tpu.memory_space<vmem>>, vector<16xf32>,
    %swap3A_127 = vector.shape_cast %swap3A_126 : vector<16xf32> to vector<16xf32>
    %swap3A_128 = vector.shape_cast %gather3A_124 : vector<16xf32> to vector<16xf32>
    tpu.vector_store %arg7[%swap3A_125], %swap3A_128 {strides = array<i32>} : memref<256xf32, #tpu.memory_space<vmem>>, vector<16xf32>,
    %get3A_129 = arith.constant 112 : index
    %get3A_130 = tpu.vector_load %arg6[%get3A_129] {strides = array<i32>} : memref<256xi32, #tpu.memory_space<vmem>>, vector<16xi32>,
    %get3A_131 = vector.shape_cast %get3A_130 : vector<16xi32> to vector<16xi32>
    %lt3A_132 = arith.constant 0 : i32
    %lt3A_133 = vector.broadcast %lt3A_132 : i32 to vector<16xi32>
    %lt3A_134 = arith.cmpi slt, %get3A_131, %lt3A_133 : vector<16xi32>
    %add3A_135 = arith.constant 16 : i32
    %add3A_136 = vector.broadcast %add3A_135 : i32 to vector<16xi32>
    %add3A_137 = arith.addi %get3A_131, %add3A_136 : vector<16xi32>
    %select_n3A_138 = arith.select %lt3A_134, %add3A_137, %get3A_131 : vector<16xi1>, vector<16xi32>
    %broadcast_in_dim3A_139 = vector.shape_cast %select_n3A_138 : vector<16xi32> to vector<16x1xi32>
    %gather3A_140 = vector.shape_cast %broadcast_in_dim3A_139 : vector<16x1xi32> to vector<16xi32>
    %gather3A_141 = tpu.dynamic_gather %get3A_14[%gather3A_140] in [0] : vector<16xf32>, vector<16xi32> -> vector<16xf32>
    %swap3A_142 = arith.constant 112 : index
    %swap3A_143 = tpu.vector_load %arg7[%swap3A_142] {strides = array<i32>} : memref<256xf32, #tpu.memory_space<vmem>>, vector<16xf32>,
    %swap3A_144 = vector.shape_cast %swap3A_143 : vector<16xf32> to vector<16xf32>
    %swap3A_145 = vector.shape_cast %gather3A_141 : vector<16xf32> to vector<16xf32>
    tpu.vector_store %arg7[%swap3A_142], %swap3A_145 {strides = array<i32>} : memref<256xf32, #tpu.memory_space<vmem>>, vector<16xf32>,
    %dma_start3A_146 = arith.constant 0 : i32
    %dma_start3A_147 = tpu.memref_slice %arg7[%dma_start3A_146] : memref<256xf32, #tpu.memory_space<vmem>> -> memref<128xf32, #tpu.memory_space<vmem>>
    %dma_start3A_148 = tpu.memref_slice %arg4[%mul3A_2] : memref<4096xf32, #tpu.memory_space<hbm>> -> memref<128xf32, #tpu.memory_space<hbm>>
    %dma_start3A_149 = tpu.memref_slice %arg4[%mul3A_2] : memref<4096xf32, #tpu.memory_space<hbm>> -> memref<128xf32, #tpu.memory_space<hbm>>
    %dma_start3A_150 = arith.constant 0 : i32
    %dma_start3A_151 = tpu.memref_slice %arg7[%dma_start3A_150] : memref<256xf32, #tpu.memory_space<vmem>> -> memref<128xf32, #tpu.memory_space<vmem>>
    tpu.enqueue_dma source(%dma_start3A_151 : memref<128xf32, #tpu.memory_space<vmem>>) target(%dma_start3A_149 : memref<128xf32, #tpu.memory_space<hbm>>) target_semaphore(%arg10 : memref<!tpu.dma_semaphore, #tpu.memory_space<semaphore_mem>>)
    %get3A_152 = arith.constant 128 : index
    %get3A_153 = tpu.vector_load %arg6[%get3A_152] {strides = array<i32>} : memref<256xi32, #tpu.memory_space<vmem>>, vector<16xi32>,
    %get3A_154 = vector.shape_cast %get3A_153 : vector<16xi32> to vector<16xi32>
    %lt3A_155 = arith.constant 0 : i32
    %lt3A_156 = vector.broadcast %lt3A_155 : i32 to vector<16xi32>
    %lt3A_157 = arith.cmpi slt, %get3A_154, %lt3A_156 : vector<16xi32>
    %add3A_158 = arith.constant 16 : i32
    %add3A_159 = vector.broadcast %add3A_158 : i32 to vector<16xi32>
    %add3A_160 = arith.addi %get3A_154, %add3A_159 : vector<16xi32>
    %select_n3A_161 = arith.select %lt3A_157, %add3A_160, %get3A_154 : vector<16xi1>, vector<16xi32>
    %broadcast_in_dim3A_162 = vector.shape_cast %select_n3A_161 : vector<16xi32> to vector<16x1xi32>
    %gather3A_163 = vector.shape_cast %broadcast_in_dim3A_162 : vector<16x1xi32> to vector<16xi32>
    %gather3A_164 = tpu.dynamic_gather %get3A_14[%gather3A_163] in [0] : vector<16xf32>, vector<16xi32> -> vector<16xf32>
    %swap3A_165 = arith.constant 128 : index
    %swap3A_166 = tpu.vector_load %arg7[%swap3A_165] {strides = array<i32>} : memref<256xf32, #tpu.memory_space<vmem>>, vector<16xf32>,
    %swap3A_167 = vector.shape_cast %swap3A_166 : vector<16xf32> to vector<16xf32>
    %swap3A_168 = vector.shape_cast %gather3A_164 : vector<16xf32> to vector<16xf32>
    tpu.vector_store %arg7[%swap3A_165], %swap3A_168 {strides = array<i32>} : memref<256xf32, #tpu.memory_space<vmem>>, vector<16xf32>,
    %get3A_169 = arith.constant 144 : index
    %get3A_170 = tpu.vector_load %arg6[%get3A_169] {strides = array<i32>} : memref<256xi32, #tpu.memory_space<vmem>>, vector<16xi32>,
    %get3A_171 = vector.shape_cast %get3A_170 : vector<16xi32> to vector<16xi32>
    %lt3A_172 = arith.constant 0 : i32
    %lt3A_173 = vector.broadcast %lt3A_172 : i32 to vector<16xi32>
    %lt3A_174 = arith.cmpi slt, %get3A_171, %lt3A_173 : vector<16xi32>
    %add3A_175 = arith.constant 16 : i32
    %add3A_176 = vector.broadcast %add3A_175 : i32 to vector<16xi32>
    %add3A_177 = arith.addi %get3A_171, %add3A_176 : vector<16xi32>
    %select_n3A_178 = arith.select %lt3A_174, %add3A_177, %get3A_171 : vector<16xi1>, vector<16xi32>
    %broadcast_in_dim3A_179 = vector.shape_cast %select_n3A_178 : vector<16xi32> to vector<16x1xi32>
    %gather3A_180 = vector.shape_cast %broadcast_in_dim3A_179 : vector<16x1xi32> to vector<16xi32>
    %gather3A_181 = tpu.dynamic_gather %get3A_14[%gather3A_180] in [0] : vector<16xf32>, vector<16xi32> -> vector<16xf32>
    %swap3A_182 = arith.constant 144 : index
    %swap3A_183 = tpu.vector_load %arg7[%swap3A_182] {strides = array<i32>} : memref<256xf32, #tpu.memory_space<vmem>>, vector<16xf32>,
    %swap3A_184 = vector.shape_cast %swap3A_183 : vector<16xf32> to vector<16xf32>
    %swap3A_185 = vector.shape_cast %gather3A_181 : vector<16xf32> to vector<16xf32>
    tpu.vector_store %arg7[%swap3A_182], %swap3A_185 {strides = array<i32>} : memref<256xf32, #tpu.memory_space<vmem>>, vector<16xf32>,
    %get3A_186 = arith.constant 160 : index
    %get3A_187 = tpu.vector_load %arg6[%get3A_186] {strides = array<i32>} : memref<256xi32, #tpu.memory_space<vmem>>, vector<16xi32>,
    %get3A_188 = vector.shape_cast %get3A_187 : vector<16xi32> to vector<16xi32>
    %lt3A_189 = arith.constant 0 : i32
    %lt3A_190 = vector.broadcast %lt3A_189 : i32 to vector<16xi32>
    %lt3A_191 = arith.cmpi slt, %get3A_188, %lt3A_190 : vector<16xi32>
    %add3A_192 = arith.constant 16 : i32
    %add3A_193 = vector.broadcast %add3A_192 : i32 to vector<16xi32>
    %add3A_194 = arith.addi %get3A_188, %add3A_193 : vector<16xi32>
    %select_n3A_195 = arith.select %lt3A_191, %add3A_194, %get3A_188 : vector<16xi1>, vector<16xi32>
    %broadcast_in_dim3A_196 = vector.shape_cast %select_n3A_195 : vector<16xi32> to vector<16x1xi32>
    %gather3A_197 = vector.shape_cast %broadcast_in_dim3A_196 : vector<16x1xi32> to vector<16xi32>
    %gather3A_198 = tpu.dynamic_gather %get3A_14[%gather3A_197] in [0] : vector<16xf32>, vector<16xi32> -> vector<16xf32>
    %swap3A_199 = arith.constant 160 : index
    %swap3A_200 = tpu.vector_load %arg7[%swap3A_199] {strides = array<i32>} : memref<256xf32, #tpu.memory_space<vmem>>, vector<16xf32>,
    %swap3A_201 = vector.shape_cast %swap3A_200 : vector<16xf32> to vector<16xf32>
    %swap3A_202 = vector.shape_cast %gather3A_198 : vector<16xf32> to vector<16xf32>
    tpu.vector_store %arg7[%swap3A_199], %swap3A_202 {strides = array<i32>} : memref<256xf32, #tpu.memory_space<vmem>>, vector<16xf32>,
    %get3A_203 = arith.constant 176 : index
    %get3A_204 = tpu.vector_load %arg6[%get3A_203] {strides = array<i32>} : memref<256xi32, #tpu.memory_space<vmem>>, vector<16xi32>,
    %get3A_205 = vector.shape_cast %get3A_204 : vector<16xi32> to vector<16xi32>
    %lt3A_206 = arith.constant 0 : i32
    %lt3A_207 = vector.broadcast %lt3A_206 : i32 to vector<16xi32>
    %lt3A_208 = arith.cmpi slt, %get3A_205, %lt3A_207 : vector<16xi32>
    %add3A_209 = arith.constant 16 : i32
    %add3A_210 = vector.broadcast %add3A_209 : i32 to vector<16xi32>
    %add3A_211 = arith.addi %get3A_205, %add3A_210 : vector<16xi32>
    %select_n3A_212 = arith.select %lt3A_208, %add3A_211, %get3A_205 : vector<16xi1>, vector<16xi32>
    %broadcast_in_dim3A_213 = vector.shape_cast %select_n3A_212 : vector<16xi32> to vector<16x1xi32>
    %gather3A_214 = vector.shape_cast %broadcast_in_dim3A_213 : vector<16x1xi32> to vector<16xi32>
    %gather3A_215 = tpu.dynamic_gather %get3A_14[%gather3A_214] in [0] : vector<16xf32>, vector<16xi32> -> vector<16xf32>
    %swap3A_216 = arith.constant 176 : index
    %swap3A_217 = tpu.vector_load %arg7[%swap3A_216] {strides = array<i32>} : memref<256xf32, #tpu.memory_space<vmem>>, vector<16xf32>,
    %swap3A_218 = vector.shape_cast %swap3A_217 : vector<16xf32> to vector<16xf32>
    %swap3A_219 = vector.shape_cast %gather3A_215 : vector<16xf32> to vector<16xf32>
    tpu.vector_store %arg7[%swap3A_216], %swap3A_219 {strides = array<i32>} : memref<256xf32, #tpu.memory_space<vmem>>, vector<16xf32>,
    %get3A_220 = arith.constant 192 : index
    %get3A_221 = tpu.vector_load %arg6[%get3A_220] {strides = array<i32>} : memref<256xi32, #tpu.memory_space<vmem>>, vector<16xi32>,
    %get3A_222 = vector.shape_cast %get3A_221 : vector<16xi32> to vector<16xi32>
    %lt3A_223 = arith.constant 0 : i32
    %lt3A_224 = vector.broadcast %lt3A_223 : i32 to vector<16xi32>
    %lt3A_225 = arith.cmpi slt, %get3A_222, %lt3A_224 : vector<16xi32>
    %add3A_226 = arith.constant 16 : i32
    %add3A_227 = vector.broadcast %add3A_226 : i32 to vector<16xi32>
    %add3A_228 = arith.addi %get3A_222, %add3A_227 : vector<16xi32>
    %select_n3A_229 = arith.select %lt3A_225, %add3A_228, %get3A_222 : vector<16xi1>, vector<16xi32>
    %broadcast_in_dim3A_230 = vector.shape_cast %select_n3A_229 : vector<16xi32> to vector<16x1xi32>
    %gather3A_231 = vector.shape_cast %broadcast_in_dim3A_230 : vector<16x1xi32> to vector<16xi32>
    %gather3A_232 = tpu.dynamic_gather %get3A_14[%gather3A_231] in [0] : vector<16xf32>, vector<16xi32> -> vector<16xf32>
    %swap3A_233 = arith.constant 192 : index
    %swap3A_234 = tpu.vector_load %arg7[%swap3A_233] {strides = array<i32>} : memref<256xf32, #tpu.memory_space<vmem>>, vector<16xf32>,
    %swap3A_235 = vector.shape_cast %swap3A_234 : vector<16xf32> to vector<16xf32>
    %swap3A_236 = vector.shape_cast %gather3A_232 : vector<16xf32> to vector<16xf32>
    tpu.vector_store %arg7[%swap3A_233], %swap3A_236 {strides = array<i32>} : memref<256xf32, #tpu.memory_space<vmem>>, vector<16xf32>,
    %get3A_237 = arith.constant 208 : index
    %get3A_238 = tpu.vector_load %arg6[%get3A_237] {strides = array<i32>} : memref<256xi32, #tpu.memory_space<vmem>>, vector<16xi32>,
    %get3A_239 = vector.shape_cast %get3A_238 : vector<16xi32> to vector<16xi32>
    %lt3A_240 = arith.constant 0 : i32
    %lt3A_241 = vector.broadcast %lt3A_240 : i32 to vector<16xi32>
    %lt3A_242 = arith.cmpi slt, %get3A_239, %lt3A_241 : vector<16xi32>
    %add3A_243 = arith.constant 16 : i32
    %add3A_244 = vector.broadcast %add3A_243 : i32 to vector<16xi32>
    %add3A_245 = arith.addi %get3A_239, %add3A_244 : vector<16xi32>
    %select_n3A_246 = arith.select %lt3A_242, %add3A_245, %get3A_239 : vector<16xi1>, vector<16xi32>
    %broadcast_in_dim3A_247 = vector.shape_cast %select_n3A_246 : vector<16xi32> to vector<16x1xi32>
    %gather3A_248 = vector.shape_cast %broadcast_in_dim3A_247 : vector<16x1xi32> to vector<16xi32>
    %gather3A_249 = tpu.dynamic_gather %get3A_14[%gather3A_248] in [0] : vector<16xf32>, vector<16xi32> -> vector<16xf32>
    %swap3A_250 = arith.constant 208 : index
    %swap3A_251 = tpu.vector_load %arg7[%swap3A_250] {strides = array<i32>} : memref<256xf32, #tpu.memory_space<vmem>>, vector<16xf32>,
    %swap3A_252 = vector.shape_cast %swap3A_251 : vector<16xf32> to vector<16xf32>
    %swap3A_253 = vector.shape_cast %gather3A_249 : vector<16xf32> to vector<16xf32>
    tpu.vector_store %arg7[%swap3A_250], %swap3A_253 {strides = array<i32>} : memref<256xf32, #tpu.memory_space<vmem>>, vector<16xf32>,
    %get3A_254 = arith.constant 224 : index
    %get3A_255 = tpu.vector_load %arg6[%get3A_254] {strides = array<i32>} : memref<256xi32, #tpu.memory_space<vmem>>, vector<16xi32>,
    %get3A_256 = vector.shape_cast %get3A_255 : vector<16xi32> to vector<16xi32>
    %lt3A_257 = arith.constant 0 : i32
    %lt3A_258 = vector.broadcast %lt3A_257 : i32 to vector<16xi32>
    %lt3A_259 = arith.cmpi slt, %get3A_256, %lt3A_258 : vector<16xi32>
    %add3A_260 = arith.constant 16 : i32
    %add3A_261 = vector.broadcast %add3A_260 : i32 to vector<16xi32>
    %add3A_262 = arith.addi %get3A_256, %add3A_261 : vector<16xi32>
    %select_n3A_263 = arith.select %lt3A_259, %add3A_262, %get3A_256 : vector<16xi1>, vector<16xi32>
    %broadcast_in_dim3A_264 = vector.shape_cast %select_n3A_263 : vector<16xi32> to vector<16x1xi32>
    %gather3A_265 = vector.shape_cast %broadcast_in_dim3A_264 : vector<16x1xi32> to vector<16xi32>
    %gather3A_266 = tpu.dynamic_gather %get3A_14[%gather3A_265] in [0] : vector<16xf32>, vector<16xi32> -> vector<16xf32>
    %swap3A_267 = arith.constant 224 : index
    %swap3A_268 = tpu.vector_load %arg7[%swap3A_267] {strides = array<i32>} : memref<256xf32, #tpu.memory_space<vmem>>, vector<16xf32>,
    %swap3A_269 = vector.shape_cast %swap3A_268 : vector<16xf32> to vector<16xf32>
    %swap3A_270 = vector.shape_cast %gather3A_266 : vector<16xf32> to vector<16xf32>
    tpu.vector_store %arg7[%swap3A_267], %swap3A_270 {strides = array<i32>} : memref<256xf32, #tpu.memory_space<vmem>>, vector<16xf32>,
    %get3A_271 = arith.constant 240 : index
    %get3A_272 = tpu.vector_load %arg6[%get3A_271] {strides = array<i32>} : memref<256xi32, #tpu.memory_space<vmem>>, vector<16xi32>,
    %get3A_273 = vector.shape_cast %get3A_272 : vector<16xi32> to vector<16xi32>
    %lt3A_274 = arith.constant 0 : i32
    %lt3A_275 = vector.broadcast %lt3A_274 : i32 to vector<16xi32>
    %lt3A_276 = arith.cmpi slt, %get3A_273, %lt3A_275 : vector<16xi32>
    %add3A_277 = arith.constant 16 : i32
    %add3A_278 = vector.broadcast %add3A_277 : i32 to vector<16xi32>
    %add3A_279 = arith.addi %get3A_273, %add3A_278 : vector<16xi32>
    %select_n3A_280 = arith.select %lt3A_276, %add3A_279, %get3A_273 : vector<16xi1>, vector<16xi32>
    %broadcast_in_dim3A_281 = vector.shape_cast %select_n3A_280 : vector<16xi32> to vector<16x1xi32>
    %gather3A_282 = vector.shape_cast %broadcast_in_dim3A_281 : vector<16x1xi32> to vector<16xi32>
    %gather3A_283 = tpu.dynamic_gather %get3A_14[%gather3A_282] in [0] : vector<16xf32>, vector<16xi32> -> vector<16xf32>
    %swap3A_284 = arith.constant 240 : index
    %swap3A_285 = tpu.vector_load %arg7[%swap3A_284] {strides = array<i32>} : memref<256xf32, #tpu.memory_space<vmem>>, vector<16xf32>,
    %swap3A_286 = vector.shape_cast %swap3A_285 : vector<16xf32> to vector<16xf32>
    %swap3A_287 = vector.shape_cast %gather3A_283 : vector<16xf32> to vector<16xf32>
    tpu.vector_store %arg7[%swap3A_284], %swap3A_287 {strides = array<i32>} : memref<256xf32, #tpu.memory_space<vmem>>, vector<16xf32>,
    %add3A_288 = arith.constant 128 : i32
    %add3A_289 = arith.addi %mul3A_2, %add3A_288 : i32
    %dma_start3A_290 = arith.constant 128 : i32
    %dma_start3A_291 = tpu.memref_slice %arg7[%dma_start3A_290] : memref<256xf32, #tpu.memory_space<vmem>> -> memref<128xf32, #tpu.memory_space<vmem>>
    %dma_start3A_292 = tpu.memref_slice %arg4[%add3A_289] : memref<4096xf32, #tpu.memory_space<hbm>> -> memref<128xf32, #tpu.memory_space<hbm>>
    %dma_start3A_293 = tpu.memref_slice %arg4[%add3A_289] : memref<4096xf32, #tpu.memory_space<hbm>> -> memref<128xf32, #tpu.memory_space<hbm>>
    %dma_start3A_294 = arith.constant 128 : i32
    %dma_start3A_295 = tpu.memref_slice %arg7[%dma_start3A_294] : memref<256xf32, #tpu.memory_space<vmem>> -> memref<128xf32, #tpu.memory_space<vmem>>
    tpu.enqueue_dma source(%dma_start3A_295 : memref<128xf32, #tpu.memory_space<vmem>>) target(%dma_start3A_293 : memref<128xf32, #tpu.memory_space<hbm>>) target_semaphore(%arg10 : memref<!tpu.dma_semaphore, #tpu.memory_space<semaphore_mem>>)
    %dma_wait3A_296 = arith.constant 0 : i32
    %dma_wait3A_297 = tpu.memref_slice %arg7[%dma_wait3A_296] : memref<256xf32, #tpu.memory_space<vmem>> -> memref<128xf32, #tpu.memory_space<vmem>>
    %dma_wait3A_298 = tpu.memref_slice %arg4[%mul3A_2] : memref<4096xf32, #tpu.memory_space<hbm>> -> memref<128xf32, #tpu.memory_space<hbm>>
    %dma_wait3A_299 = tpu.memref_slice %arg4[%mul3A_2] : memref<4096xf32, #tpu.memory_space<hbm>> -> memref<128xf32, #tpu.memory_space<hbm>>
    %dma_wait3A_300 = arith.constant 0 : i32
    %dma_wait3A_301 = tpu.memref_slice %arg7[%dma_wait3A_300] : memref<256xf32, #tpu.memory_space<vmem>> -> memref<128xf32, #tpu.memory_space<vmem>>
    tpu.wait_dma2 semaphore(%arg10 : memref<!tpu.dma_semaphore, #tpu.memory_space<semaphore_mem>>) src(%dma_wait3A_301 : memref<128xf32, #tpu.memory_space<vmem>>) dst(%dma_wait3A_299 : memref<128xf32, #tpu.memory_space<hbm>>)
    %dma_wait3A_302 = arith.constant 128 : i32
    %dma_wait3A_303 = tpu.memref_slice %arg7[%dma_wait3A_302] : memref<256xf32, #tpu.memory_space<vmem>> -> memref<128xf32, #tpu.memory_space<vmem>>
    %dma_wait3A_304 = tpu.memref_slice %arg4[%add3A_289] : memref<4096xf32, #tpu.memory_space<hbm>> -> memref<128xf32, #tpu.memory_space<hbm>>
    %dma_wait3A_305 = tpu.memref_slice %arg4[%add3A_289] : memref<4096xf32, #tpu.memory_space<hbm>> -> memref<128xf32, #tpu.memory_space<hbm>>
    %dma_wait3A_306 = arith.constant 128 : i32
    %dma_wait3A_307 = tpu.memref_slice %arg7[%dma_wait3A_306] : memref<256xf32, #tpu.memory_space<vmem>> -> memref<128xf32, #tpu.memory_space<vmem>>
    tpu.wait_dma2 semaphore(%arg10 : memref<!tpu.dma_semaphore, #tpu.memory_space<semaphore_mem>>) src(%dma_wait3A_307 : memref<128xf32, #tpu.memory_space<vmem>>) dst(%dma_wait3A_305 : memref<128xf32, #tpu.memory_space<hbm>>)
    return
  }
}

</mosaic_0001>

<sc_bundles>
// kernel: _run.3.cloned.1.call-start
scs
__scs_entry_jumppad:
0x0: {  	(pc) =	sbr.rel $0x88, $3  }
0x1: {  	(tag) =	ssettag $0x0;
	lr =	simm.s32 $0x1  }
0x2: {  	[smem:$0x3F9F] =	sst lr;
	_ =	strace $0xD0000000  }
0x3: {  	_ = 	snop  }
0x4: {  	_ = 	snop  }
0x5: {  	_ = 	snop  }
0x6: {  	_ = 	snop  }
0x7: {  	_ = 	snop  }
__scs_overlays_trampoline_lowered:
0x8: {  	[smem:$0x3FAE] =	sst s0  }
0x9: {  	[smem:$0x3FAF] =	sst s1  }
0xa: {  	[smem:$0x3FB0] =	sst s2  }
0xb: {  	[smem:$0x3FB1] =	sst s3  }
0xc: {  	[smem:$0x3FB2] =	sst s4  }
0xd: {  	[smem:$0x3FB3] =	sst s5  }
0xe: {  	[smem:$0x3FB4] =	sst s6  }
0xf: {  	[smem:$0x3FB5] =	sst s7  }
0x10: {  	[smem:$0x3FB6] =	sst s8  }
0x11: {  	[smem:$0x3FB7] =	sst s9;
	s0 =	simm.s32 @!p0 $0x0  }
0x12: {  	s1 =	sld [smem:$0x3F9D];
	s0 =	simm.s32 @p0 $0x1  }
0x13: {  	[smem:$0x3FB8] =	sst s0;
	s0 =	simm.s32 @!p1 $0x0  }
0x14: {  	s2 =	sld [smem:$0x3F9C];
	s0 =	simm.s32 @p1 $0x1  }
0x15: {  	[smem:$0x3FB9] =	sst s0;
	s0 =	simm.s32 @!p2 $0x0  }
0x16: {  	s3 =	sld [smem:$0x3FDB];
	s0 =	simm.s32 @p2 $0x1  }
0x17: {  	s4 =	simm.s32 $0x1BF5;
	[smem:$0x3FBB] =	sst s0  }
0x18: {  	s0 =	sld [smem:$0x3F9E];
	_ =	swait.ge [sflag:s4], $0x0  }
0x19: {  	s7 =	sld [smem:$0x3F9F]  }
0x1a: {  	s8 =	sadd.s32 $0xFFFFE003, lr  }
0x1b: {  	s9 =	sadd.s32 $0xFFFFFEF7, lr;
	s5 =	simm.s32 $0xFFFFFFFF;
	p2 =	slt.u32 s8, $0xFFFFF086  }
0x1c: {  	p1 =	slt.u32 s9, $0xF7A;
	s5 =	simm.s32 @!p2 $0x0  }
0x1d: {  	s5 =	simm.s32 @p1 $0x1;
	p0 =	seq.s32 s7, s2  }
0x1e: {  	s7 =	smul.u32 @!p0 $0xF7A, s2;
	p2 =	seq.s32 @!p0 s5, $0x0  }
0x1f: {  	s9 =	smul.u32 $0xF7A, s1;
	s8 =	simm.s32 @!p0 $0x1BF5;
	p2 =	por !p2, p0  }
0x20: {  	[sflag:s8] =	ssyncset.s32 @!p0 $0xFFFFF086;
	s6 =	sadd.s32 @!p0 s3, s7;
	s7 =	simm.s32 @!p0 $0x108  }
0x21: {  	s3 =	sadd.s32 s3, s9;
	s6 =	sadd.s32 @!p0 $0x88, s6;
	s7 =	simm.s32 @p2 $0x1082  }
0x22: {  	[simem:s7], [sflag:s8] =	dma.local @!p0 [hbm:s6], $0xF7A  }
0x23: {  	s9 =	sor.u32 $0xD0000000, s2;
	s6 =	simm.s32 $0x108;
	_ =	swait.ge @!p0 [sflag:s8], $0x0  }
0x24: {  	s3 =	sadd.s32 $0x88, s3;
	s6 =	simm.s32 @!p1 $0x1082;
	[sflag:s4] =	ssyncset.s32 $0xFFFFF086  }
0x25: {  	[simem:s6], [sflag:s4] =	dma.local [hbm:s3], $0xF7A  }
0x26: {  	[smem:$0x3F9F] =	sst s1;
	(tag) =	ssettag s2;
	_ =	strace s9  }
0x27: {  	s1 =	sld [smem:$0x3FAF]  }
0x28: {  	s2 =	sld [smem:$0x3FB0]  }
0x29: {  	s4 =	sld [smem:$0x3FB2]  }
0x2a: {  	p0 =	seq.s32 s5, $0x0;
	s5 =	sld [smem:$0x3FB3]  }
0x2b: {  	s6 =	sld [smem:$0x3FB4]  }
0x2c: {  	s7 =	sld [smem:$0x3FB5]  }
0x2d: {  	s3 =	simm.s32 $0x108;
	s8 =	sld [smem:$0x3FB6]  }
0x2e: {  	s3 =	simm.s32 @!p0 $0x1082;
	s9 =	sld [smem:$0x3FB7]  }
0x2f: {  	lr =	sadd.s32 s0, s3;
	s0 =	sld [smem:$0x3FAE]  }
0x30: {  	s3 =	sld [smem:$0x3FB1]  }
0x31: {  	[smem:$0x3FBA] =	sst s10  }
0x32: {  	s10 =	sld [smem:$0x3FB8];
	_ =	sdelay $0x3  }
0x33: {  	p0 =	seq.s32 s10, $0x1;
	s10 =	sld [smem:$0x3FBA];
	_ =	sdelay $0x3  }
0x34: {  	[smem:$0x3FBA] =	sst s10  }
0x35: {  	s10 =	sld [smem:$0x3FB9];
	_ =	sdelay $0x3  }
0x36: {  	p1 =	seq.s32 s10, $0x1;
	s10 =	sld [smem:$0x3FBA];
	_ =	sdelay $0x3  }
0x37: {  	[smem:$0x3FBA] =	sst s10  }
0x38: {  	s10 =	sld [smem:$0x3FBB]  }
0x39: {  	_ = 	snop;
	(pc) =	sbr.ind lr, $3  }
0x3a: {  	_ = 	snop  }
0x3b: {  	_ = 	snop  }
0x3c: {  	p2 =	seq.s32 s10, $0x1;
	s10 =	sld [smem:$0x3FBA]  }
0x3d: {  	_ =	shalt  }
0x3e: {  	_ =	shalt  }
0x3f: {  	_ =	shalt  }
0x40: {  	_ =	shalt  }
0x41: {  	_ =	shalt  }
0x42: {  	_ =	shalt  }
0x43: {  	_ =	shalt  }
0x44: {  	_ =	shalt  }
0x45: {  	_ =	shalt  }
0x46: {  	_ =	shalt  }
0x47: {  	_ =	shalt  }
0x48: {  	_ =	shalt  }
0x49: {  	_ =	shalt  }
0x4a: {  	_ =	shalt  }
0x4b: {  	_ =	shalt  }
0x4c: {  	_ =	shalt  }
0x4d: {  	_ =	shalt  }
0x4e: {  	_ =	shalt  }
0x4f: {  	_ =	shalt  }
0x50: {  	_ =	shalt  }
0x51: {  	_ =	shalt  }
0x52: {  	_ =	shalt  }
0x53: {  	_ =	shalt  }
0x54: {  	_ =	shalt  }
0x55: {  	_ =	shalt  }
0x56: {  	_ =	shalt  }
0x57: {  	_ =	shalt  }
0x58: {  	_ =	shalt  }
0x59: {  	_ =	shalt  }
0x5a: {  	_ =	shalt  }
0x5b: {  	_ =	shalt  }
0x5c: {  	_ =	shalt  }
0x5d: {  	_ =	shalt  }
0x5e: {  	_ =	shalt  }
0x5f: {  	_ =	shalt  }
0x60: {  	_ =	shalt  }
0x61: {  	_ =	shalt  }
0x62: {  	_ =	shalt  }
0x63: {  	_ =	shalt  }
0x64: {  	_ =	shalt  }
0x65: {  	_ =	shalt  }
0x66: {  	_ =	shalt  }
0x67: {  	_ =	shalt  }
0x68: {  	_ =	shalt  }
0x69: {  	_ =	shalt  }
0x6a: {  	_ =	shalt  }
0x6b: {  	_ =	shalt  }
0x6c: {  	_ =	shalt  }
0x6d: {  	_ =	shalt  }
0x6e: {  	_ =	shalt  }
0x6f: {  	_ =	shalt  }
0x70: {  	_ =	shalt  }
0x71: {  	_ =	shalt  }
0x72: {  	_ =	shalt  }
0x73: {  	_ =	shalt  }
0x74: {  	_ =	shalt  }
0x75: {  	_ =	shalt  }
0x76: {  	_ =	shalt  }
0x77: {  	_ =	shalt  }
0x78: {  	_ =	shalt  }
0x79: {  	_ =	shalt  }
0x7a: {  	_ =	shalt  }
0x7b: {  	_ =	shalt  }
0x7c: {  	_ =	shalt  }
0x7d: {  	_ =	shalt  }
0x7e: {  	_ =	shalt  }
0x7f: {  	_ =	shalt  }
0x80: {  	_ =	shalt  }
0x81: {  	_ =	shalt  }
0x82: {  	_ =	shalt  }
0x83: {  	_ =	shalt  }
0x84: {  	_ =	shalt  }
0x85: {  	_ =	shalt  }
0x86: {  	_ =	shalt  }
0x87: {  	_ =	shalt  }
.Lfunc_end0:
.L_simem_size_0:
called_computation_lowered:
.L_overlay_start_0:
0x88: {  	s0 =	sld [smem:$0x3FD9]  }
0x89: {  	s1 =	sld [smem:$0x3FFE];
	_ =	sdelay $0x3  }
0x8a: {  	s0 =	sadd.s32 s1, s0  }
0x8b: {  	[smem:$0x3FC6] =	sst s0  }
0x8c: {  	_ = 	snop  }
0x8d: {  	s0 =	sld [smem:$0x3FC9]  }
0x8e: {  	s17 =	sld [smem:$0x3FC8]  }
0x8f: {  	s2 =	sld [smem:$0x3FD0];
	(tm) =	ssettm $0x1  }
0x90: {  	s3 =	sld [smem:$0x3FFB];
	_ =	sdelay $0x3  }
0x91: {  	_ =	strace s3  }
0x92: {  	s3 =	sld [smem:$0x3FFC];
	_ =	sdelay $0x3  }
0x93: {  	_ =	strace s3  }
0x94: {  	s3 =	sld [smem:$0x3FFD];
	_ =	sdelay $0x3  }
0x95: {  	_ =	strace s3  }
0x96: {  	_ =	strace $0x8FFFFFFF  }
0x97: {  	s18 =	sld [smem:$0x3FDB];
	_ =	sdelay $0x1  }
0x98: {  	s4 =	simm.s32 $_scs_section_size  }
0x99: {  	s5 =	simm.s32 $_size__tile_overlayer_lowered;
	s6 =	simm.s32 $_tile_overlayer_lowered  }
0x9a: {  	s21 =	simm.s32 $0x1BFF;
	s20 =	sshll.u32 s6, $0x1;
	s3 =	sadd.s32 s4, s18  }
0x9b: {  	s7 =	simm.s32 $0x0;
	s19 =	sshll.u32 s5, $0x1;
	s5 =	sadd.s32 s20, s3  }
0x9c: {  	[timem:s7], [sflag:s21] =	dma.local [hbm:s5], s19  }
0x9d: {  	_ =	swait.ge [sflag:s21], s19  }
0x9e: {  	s4 =	ssub.s32 $0x0, s19;
	[sflag:s21] =	ssyncset.done $0x0  }
0x9f: {  	[sflag:s21] =	ssyncadd.s32 s4;
	_ =	sdelay $0x1  }
0xa0: {  	s22 =	simm.s32 $0x1B8B  }
0xa1: {  	_ =	swait.ge [sflag:s22], $0x1  }
0xa2: {  	[sflag:s22] =	ssyncset.done $0x0  }
0xa3: {  	s23 =	simm.s32 $0x1B8E;
	[sflag:s22] =	ssyncadd.s32 $0xFFFFFFFF  }
0xa4: {  	s24 =	simm.s32 $execute0_lowered;
	[smem:$0x3FD2] =	sst s23  }
0xa5: {  	s4 =	sshll.u32 s24, $0x1;
	_ =	strace $0x80000046;
	[dreg:$0x1] =	wrdreg $0xFFFFFFFF  }
0xa6: {  	s25 =	simm.s32 $_size_execute0_lowered;
	s3 =	sadd.s32 s3, s4;
	[dreg:$0x0] =	wrdreg $0x0  }
0xa7: {  	s4 =	sshll.u32 s25, $0x1;
	[dreg:$0x2] =	wrdreg s3  }
0xa8: {  	[dreg:$0x3] =	wrdreg s4  }
0xa9: {  	[dreg:$0x4] =	wrdreg $0xC0  }
0xaa: {  	_ =	task [dreg:s7], $0x5FFFF  }
0xab: {  	[dreg:$0x1] =	wrdreg $0xFFFFFFFF  }
0xac: {  	[dreg:$0x0] =	wrdreg $0x60  }
0xad: {  	[dreg:$0x2] =	wrdreg s0  }
0xae: {  	[dreg:$0x3] =	wrdreg s17  }
0xaf: {  	[dreg:$0x4] =	wrdreg s2  }
0xb0: {  	[dreg:$0x5] =	wrdreg $0x9  }
0xb1: {  	_ =	task.clear_ibuf [dreg:s7], $0x6FFFF;
	_ =	strace $0x90000046  }
0xb2: {  	s26 =	simm.s32 $0x9;
	_ =	strace $0x80000048  }
0xb3: {  	_ =	swait.ge [sflag:s26], $0x1  }
0xb4: {  	[sflag:s26] =	ssyncadd.s32 $0xFFFFFFFF  }
0xb5: {  	_ =	strace $0x90000048  }
0xb6: {  	_ =	sfence  }
0xb7: {  	s28 =	sld [smem:$0x0];
	_ =	sdelay $0x1  }
0xb8: {  	s29 =	srdreg.scid  }
0xb9: {  	s30 =	sshll.u32 s29, $0xD;
	s31 =	sshrl.u32 s29, $0x2  }
0xba: {  	s1 =	sand.u32 $0x1, s29;
	s2 =	sand.u32 $0x4000, s30;
	s0 =	sadd.s32 s31, s28  }
0xbb: {  	s1 =	sor.u32 s2, s1;
	s0 =	sshll.u32 s0, $0x11  }
0xbc: {  	s0 =	sor.u32 s0, s1  }
0xbd: {  	s0 =	sadd.s32 $0x8F2B, s0  }
0xbe: {  	[sflag:s0] =	ssyncadd.remote.s32 $0x1  }
0xbf: {  	_ =	sfence.sel $0xFFFF  }
0xc0: {  	[dreg:$0x0] =	wrdreg $0xFFFFFFFF;
	(pc) =	sbr.abs _section_cstart, $3  }
0xc1: {  	[dreg:$0x1] =	wrdreg $0xFFFFFFFF  }
0xc2: {  	_ =	task.clear_ibuf [dreg:s7], $0x2FFFF;
	_ =	strace $0x9FFFFFFF  }
0xc3: {  	(tm) =	ssettm $0x7FFFFFFF  }
tec
execute0_lowered:
.L_overlay_start_1:
0x0: {  	(tag) =	ssettag $0x1  }
0x1: {  	s3 =	rddreg [dreg:$0x0]  }
0x2: {  	s4 =	rddreg [dreg:$0x1]  }
0x3: {  	s5 =	rddreg [dreg:$0x2];
	s2 =	simm.s32 $0x0  }
0x4: {  	s1 =	stileid.u32;
	[smem:$0x7FF] =	sst s2  }
0x5: {  	s0 =	rddreg [dreg:$0x3];
	s6 =	sshll.u32 s1, $0x5;
	_ =	strace $0x80000047  }
0x6: {  	[tilespmem:s2], [sflag:$0x1] =	stream.linear.gather [hbm4b:s3+s2], $0xA, $0x38;
	[tilespmem:$0x280] =	vst v63  }
0x7: {  	s24 =	simm.s32 $0x80;
	s25 =	simm.s32 $0x1;
	s23 =	sadd.s32 s4, s6  }
0x8: {  	[tilespmem:s24], [sflag:$0x2] =	stream.linear.gather [hbm4b:s23+s2], $0x100, $0x38;
	[tilespmem:$0x280] =	vst v63  }
0x9: {  	_ =	swait.ge [sflag:s25], $0xA  }
0xa: {  	[sflag:s25] =	ssyncset.done $0x0  }
0xb: {  	s26 =	simm.s32 $0x2;
	[sflag:s25] =	ssyncadd.s32 $0xFFFFFFF6  }
0xc: {  	_ =	swait.ge [sflag:s26], $0x100  }
0xd: {  	[sflag:s26] =	ssyncset.done $0x0  }
0xe: {  	[sflag:s26] =	ssyncadd.s32 $0xFFFFFF00  }
0xf: {  	v0 =	vld [tilespmem:$0x0]  }
0x10: {  	v1 =	vld [tilespmem:$0x80]  }
0x11: {  	v2 =	vld [tilespmem:$0x90]  }
0x12: {  	v3 =	vld [tilespmem:$0xA0]  }
0x13: {  	v4 =	vld [tilespmem:$0xB0]  }
0x14: {  	v5 =	vld [tilespmem:$0xC0]  }
0x15: {  	v6 =	vld [tilespmem:$0xD0];
	v1 =	vperm.xlane v0, v1  }
0x16: {  	v7 =	vld [tilespmem:$0xE0];
	v2 =	vperm.xlane v0, v2  }
0x17: {  	v45 =	vld [tilespmem:$0xF0];
	v44 =	vperm.xlane v0, v3;
	[tilespmem:$0x180] =	vst v1  }
0x18: {  	v46 =	vperm.xlane v0, v4;
	[tilespmem:$0x190] =	vst v2  }
0x19: {  	v47 =	vperm.xlane v0, v5;
	[tilespmem:$0x1A0] =	vst v44  }
0x1a: {  	v48 =	vperm.xlane v0, v6;
	[tilespmem:$0x1B0] =	vst v46  }
0x1b: {  	v49 =	vperm.xlane v0, v7;
	[tilespmem:$0x1C0] =	vst v47  }
0x1c: {  	v50 =	vperm.xlane v0, v45;
	[tilespmem:$0x1D0] =	vst v48  }
0x1d: {  	[tilespmem:$0x1E0] =	vst v49  }
0x1e: {  	s29 =	simm.s32 $0x180;
	s28 =	sadd.s32 s5, s6;
	[tilespmem:$0x1F0] =	vst v50  }
0x1f: {  	[hbm4b:s28+s2] =	stream.linear.scatter [tilespmem:s29], [sflag:$0x3], $0x80, $0x38;
	[tilespmem:$0x280] =	vst v63  }
0x20: {  	v51 =	vld [tilespmem:$0x100]  }
0x21: {  	v52 =	vld [tilespmem:$0x110]  }
0x22: {  	v53 =	vld [tilespmem:$0x120]  }
0x23: {  	v54 =	vld [tilespmem:$0x130]  }
0x24: {  	v55 =	vld [tilespmem:$0x140]  }
0x25: {  	v56 =	vld [tilespmem:$0x150];
	v1 =	vperm.xlane v0, v51  }
0x26: {  	v57 =	vld [tilespmem:$0x160];
	v2 =	vperm.xlane v0, v52  }
0x27: {  	v59 =	vld [tilespmem:$0x170];
	v58 =	vperm.xlane v0, v53;
	[tilespmem:$0x200] =	vst v1  }
0x28: {  	v60 =	vperm.xlane v0, v54;
	[tilespmem:$0x210] =	vst v2  }
0x29: {  	v61 =	vperm.xlane v0, v55;
	[tilespmem:$0x220] =	vst v58  }
0x2a: {  	v62 =	vperm.xlane v0, v56;
	[tilespmem:$0x230] =	vst v60  }
0x2b: {  	v63 =	vperm.xlane v0, v57;
	[tilespmem:$0x240] =	vst v61  }
0x2c: {  	v0 =	vperm.xlane v0, v59;
	[tilespmem:$0x250] =	vst v62  }
0x2d: {  	[tilespmem:$0x260] =	vst v63  }
0x2e: {  	s30 =	simm.s32 $0x200;
	s31 =	simm.s32 $0x3;
	s3 =	sadd.s32 $0x10, s28;
	[tilespmem:$0x270] =	vst v0  }
0x2f: {  	[hbm4b:s3+s2] =	stream.linear.scatter [tilespmem:s30], [sflag:$0x3], $0x80, $0x38;
	[tilespmem:$0x280] =	vst v63  }
0x30: {  	_ =	swait.ge [sflag:s31], $0x80  }
0x31: {  	[sflag:s31] =	ssyncset.done $0x0  }
0x32: {  	[sflag:s31] =	ssyncadd.s32 $0xFFFFFF80  }
0x33: {  	_ =	swait.ge [sflag:s31], $0x80  }
0x34: {  	[sflag:s31] =	ssyncset.done $0x0  }
0x35: {  	[sflag:s31] =	ssyncadd.s32 $0xFFFFFF80  }
0x36: {  	_ =	sfence.sel $0x180000  }
0x37: {  	[bflag:$0x0] =	sbarrier.arrive $0xFFFF  }
0x38: {  	p0 =	sne.s32 s1, $0x0;
	_ =	strace $0x90000047  }
0x39: {  	s0 =	sadd.s32 @!p0 $0x100000, s0;
	[bflag:$0x2] =	sbarrier.arrive $0xFFFF  }
0x3a: {  	[sflag:s0] =	ssyncadd.tile.s32 @!p0 $0x1;
	_ =	shalt  }
.Lfunc_end2:
_tile_overlayer_lowered:
.L_overlay_start_2:
0x3b: {  	(tag) =	ssettag $0x2  }
0x3c: {  	s0 =	rddreg [dreg:$0x0];
	s2 =	stileid.u32  }
0x3d: {  	s1 =	rddreg [dreg:$0x1];
	p0 =	sne.s32 s2, $0x0  }
0x3e: {  	s3 =	rddreg [dreg:$0x2];
	[bflag:$0x3] =	sbarrier.arrive $0xFFFF;
	s2 =	simm.s32 @!p0 $0x1C04  }
0x3f: {  	[timem:s3], [sflag:s2] =	dma.local @!p0 [hbm:s0], s1  }
0x40: {  	s0 =	simm.s32 @!p0 $0x4  }
0x41: {  	_ =	swait.ge @!p0 [sflag:s0], s1  }
0x42: {  	s1 =	ssub.s32 @!p0 $0x0, s1;
	[sflag:s0] =	ssyncset.done @!p0 $0x0  }
0x43: {  	[sflag:s0] =	ssyncadd.s32 @!p0 s1  }
0x44: {  	[bflag:$0x3] =	sbarrier.arrive $0xFFFF  }
0x45: {  	_ =	shalt  }

</sc_bundles>
